<compile_context>
chip_gen: v7x
topology: tpu7x:2x2x1
jax: 0.10.2.dev20260603
libtpu: 0.0.44.dev20260713+nightly
codegen_flags: <defaults>
</compile_context>

<pallas_src>
import jax
import jax.numpy as jnp
from jax import lax
from jax.experimental import pallas as pl
from jax.experimental.pallas import tpu as pltpu
from jax.experimental.pallas import tpu_sc as plsc

_B = 4
_P = 256
_D = 1024
_S = 2048
_NW = 32
_RPW = _P // _NW


def _body(ids_hbm, pids_hbm, table_hbm, out_ids, out_emb,
          idx_v, rows_v, ids_v, pids_v, gsem, wsem, csem, osem):
    c = lax.axis_index("c")
    s = lax.axis_index("s")
    wid = s * 2 + c
    pbase = wid * _RPW

    pltpu.sync_copy(pids_hbm.at[pl.ds(pbase, _RPW)], idx_v)
    gather = pltpu.make_async_copy(table_hbm.at[idx_v], rows_v, gsem)
    gather.start()

    @pl.when(wid < _B)
    def _():
        pltpu.make_async_copy(ids_hbm.at[wid], ids_v, csem).start()

    @pl.when(jnp.logical_and(wid >= _B, wid < 2 * _B))
    def _():
        pltpu.make_async_copy(pids_hbm, pids_v, csem).start()

    gather.wait()
    writes = []
    for b in range(_B):
        w = pltpu.make_async_copy(
            rows_v, out_emb.at[pl.ds(b * _P + pbase, _RPW)], wsem)
        w.start()
        writes.append(w)

    @pl.when(wid < _B)
    def _():
        pltpu.make_async_copy(ids_hbm.at[wid], ids_v, csem).wait()
        pltpu.make_async_copy(ids_v, out_ids.at[wid, pl.ds(_P, _S)], osem).start()

    @pl.when(jnp.logical_and(wid >= _B, wid < 2 * _B))
    def _():
        pltpu.make_async_copy(pids_hbm, pids_v, csem).wait()
        pltpu.make_async_copy(pids_v, out_ids.at[wid - _B, pl.ds(0, _P)], osem).start()

    for w in writes:
        w.wait()

    @pl.when(wid < _B)
    def _():
        pltpu.make_async_copy(ids_v, out_ids.at[wid, pl.ds(_P, _S)], osem).wait()

    @pl.when(jnp.logical_and(wid >= _B, wid < 2 * _B))
    def _():
        pltpu.make_async_copy(pids_v, out_ids.at[wid - _B, pl.ds(0, _P)], osem).wait()


@jax.jit
def _sc_call(input_ids, prompt_ids, embed_weight):
    mesh = plsc.VectorSubcoreMesh(core_axis_name="c", subcore_axis_name="s")
    f = pl.kernel(
        _body,
        mesh=mesh,
        out_type=(
            jax.ShapeDtypeStruct((_B, _P + _S), jnp.int32),
            jax.ShapeDtypeStruct((_B * _P, _D), jnp.float32),
        ),
        scratch_types=[
            pltpu.VMEM((_RPW,), jnp.int32),
            pltpu.VMEM((_RPW, _D), jnp.float32),
            pltpu.VMEM((_S,), jnp.int32),
            pltpu.VMEM((_P,), jnp.int32),
            pltpu.SemaphoreType.DMA,
            pltpu.SemaphoreType.DMA,
            pltpu.SemaphoreType.DMA,
            pltpu.SemaphoreType.DMA,
        ],
    )
    return f(input_ids, prompt_ids, embed_weight)


def kernel(input_ids, prompt_ids, embed_weight):
    out_ids, emb = _sc_call(input_ids, prompt_ids, embed_weight)
    return out_ids, emb.reshape(_B, _P, _D)

# --- scband reference (transcript-rebuilt; emitter-appended) ---
"""Pipeline reference for scband-prompt-bank-67662914781527 (READ-ONLY COPY).

The authoritative reference and input builder live on the scoring server;
editing this copy changes nothing except your own understanding.
"""

import jax, jax.numpy as jnp
import numpy as np

PROMPT_LEN = 256
EMBED_DIM = 1024
VOCAB = 50257
BATCH = 4
SEQ_LEN = 2048


def setup_inputs(seed: int = 0) -> dict:
    key = jax.random.key(seed)
    k1, k2 = jax.random.split(key)
    # batch of user input token ids
    input_ids = jax.random.randint(k1, (BATCH, SEQ_LEN), 0, VOCAB, dtype=jnp.int32)
    # baked-in prompt token positions (buffer 'prompt_ids'); the nn.Embedding is
    # sized len(token_ids) so valid indices into the table are exactly 0..P-1
    prompt_ids = jnp.arange(PROMPT_LEN, dtype=jnp.int32)
    # frozen embedding table, init normal(std=0.02) as in the module
    embed_weight = jax.random.normal(k2, (PROMPT_LEN, EMBED_DIM), dtype=jnp.float32) * 0.02
    return {"input_ids": input_ids, "prompt_ids": prompt_ids, "embed_weight": embed_weight}


def reference(input_ids, prompt_ids, embed_weight):
    # PromptBank.prepend: tile prompt ids across the batch and concat in front
    B = input_ids.shape[0]
    prompt_batch = jnp.tile(prompt_ids[None, :], (B, 1))
    prepended = jnp.concatenate([prompt_batch, input_ids], axis=1)
    # embedding lookup of the baked prompt tokens (soft-prompt embeddings)
    prompt_embeds = jnp.take(embed_weight, prompt_ids, axis=0)
    prompt_embeds = jnp.broadcast_to(prompt_embeds[None, :, :], (B, prompt_ids.shape[0], embed_weight.shape[1]))
    return prepended, prompt_embeds

if __name__ == "__main__":
    import jax
    _d = setup_inputs()
    print(jax.jit(kernel)(*tuple(_d.values())))

</pallas_src>

<mosaic_0001>
#map = affine_map<(d0, d1) -> (0, 0)>
#map1 = affine_map<(d0, d1) -> (0)>
module attributes {stable_mosaic.version = 14 : i64} {
  func.func @_body(%arg0: i32, %arg1: i32, %arg2: memref<4x2048xi32, #tpu.memory_space<hbm>>, %arg3: memref<256xi32, #tpu.memory_space<hbm>>, %arg4: memref<256x1024xf32, #tpu.memory_space<hbm>>, %arg5: memref<4x2304xi32, #tpu.memory_space<hbm>>, %arg6: memref<1024x1024xf32, #tpu.memory_space<hbm>>, %arg7: memref<8xi32, #tpu.memory_space<vmem>>, %arg8: memref<8x1024xf32, #tpu.memory_space<vmem>>, %arg9: memref<2048xi32, #tpu.memory_space<vmem>>, %arg10: memref<256xi32, #tpu.memory_space<vmem>>, %arg11: memref<!tpu.dma_semaphore, #tpu.memory_space<semaphore_mem>>, %arg12: memref<!tpu.dma_semaphore, #tpu.memory_space<semaphore_mem>>, %arg13: memref<!tpu.dma_semaphore, #tpu.memory_space<semaphore_mem>>, %arg14: memref<!tpu.dma_semaphore, #tpu.memory_space<semaphore_mem>>) attributes {dimension_semantics = [#tpu.dimension_semantics<core_parallel>, #tpu.dimension_semantics<subcore_parallel>], iteration_bounds = array<i64: 2, 16>, scalar_prefetch = 0 : i64, scratch_operands = 8 : i64, tpu.core_type = #tpu.core_type<sc_vector_subcore>, window_params = [{transform_indices = #map}, {transform_indices = #map1}, {transform_indices = #map}, {transform_indices = #map}, {transform_indices = #map}]} {
    %mul3A = arith.constant 2 : i32
    %mul3A_0 = arith.muli %arg1, %mul3A : i32
    %add3A = arith.addi %mul3A_0, %arg0 : i32
    %mul3A_1 = arith.constant 8 : i32
    %mul3A_2 = arith.muli %add3A, %mul3A_1 : i32
    "tpu.region"() ({
      %run_scoped3A = tpu.sem_alloc : memref<!tpu.dma_semaphore, #tpu.memory_space<semaphore_mem>>
      %dma_start3A_81 = tpu.memref_slice %arg3[%mul3A_2] : memref<256xi32, #tpu.memory_space<hbm>> -> memref<8xi32, #tpu.memory_space<hbm>>
      %dma_start3A_82 = tpu.memref_slice %arg3[%mul3A_2] : memref<256xi32, #tpu.memory_space<hbm>> -> memref<8xi32, #tpu.memory_space<hbm>>
      tpu.enqueue_dma source(%dma_start3A_82 : memref<8xi32, #tpu.memory_space<hbm>>) target(%arg7 : memref<8xi32, #tpu.memory_space<vmem>>) target_semaphore(%run_scoped3A : memref<!tpu.dma_semaphore, #tpu.memory_space<semaphore_mem>>)
      %dma_wait3A_83 = tpu.memref_slice %arg3[%mul3A_2] : memref<256xi32, #tpu.memory_space<hbm>> -> memref<8xi32, #tpu.memory_space<hbm>>
      %dma_wait3A_84 = tpu.memref_slice %arg3[%mul3A_2] : memref<256xi32, #tpu.memory_space<hbm>> -> memref<8xi32, #tpu.memory_space<hbm>>
      tpu.wait_dma2 semaphore(%run_scoped3A : memref<!tpu.dma_semaphore, #tpu.memory_space<semaphore_mem>>) src(%dma_wait3A_84 : memref<8xi32, #tpu.memory_space<hbm>>) dst(%arg7 : memref<8xi32, #tpu.memory_space<vmem>>)
      tpu.yield
    }) : () -> ()
    %dma_start3A = arith.constant 0 : i32
    %dma_start3A_3 = arith.constant 0 : i32
    %dma_start3A_4 = tpu.memref_slice %arg4[%dma_start3A, %dma_start3A_3] : memref<256x1024xf32, #tpu.memory_space<hbm>> -> memref<256x1024xf32, #tpu.memory_space<hbm>>
    tpu.enqueue_indirect_dma source(%dma_start3A_4 : memref<256x1024xf32, #tpu.memory_space<hbm>>) target(%arg8 : memref<8x1024xf32, #tpu.memory_space<vmem>>) offsets(%arg7 : memref<8xi32, #tpu.memory_space<vmem>>) semaphore(%arg11 : memref<!tpu.dma_semaphore, #tpu.memory_space<semaphore_mem>>)
    %lt3A = arith.constant 4 : i32
    %lt3A_5 = arith.cmpi slt, %add3A, %lt3A : i32
    %convert_element_type3A = arith.extui %lt3A_5 : i1 to i32
    %cond3A = arith.constant 0 : i32
    %cond3A_6 = arith.cmpi ne, %convert_element_type3A, %cond3A : i32
    scf.if %cond3A_6 {
      %dma_start3A_81 = arith.constant 0 : i32
      %dma_start3A_82 = tpu.memref_slice %arg2[%add3A, %dma_start3A_81] : memref<4x2048xi32, #tpu.memory_space<hbm>> -> memref<1x2048xi32, #tpu.memory_space<hbm>>
      %dma_start3A_83 = tpu.memref_squeeze %dma_start3A_82 : memref<1x2048xi32, #tpu.memory_space<hbm>> -> memref<2048xi32, #tpu.memory_space<hbm>>
      %dma_start3A_84 = arith.constant 0 : i32
      %dma_start3A_85 = tpu.memref_slice %arg2[%add3A, %dma_start3A_84] : memref<4x2048xi32, #tpu.memory_space<hbm>> -> memref<1x2048xi32, #tpu.memory_space<hbm>>
      %dma_start3A_86 = tpu.memref_squeeze %dma_start3A_85 : memref<1x2048xi32, #tpu.memory_space<hbm>> -> memref<2048xi32, #tpu.memory_space<hbm>>
      tpu.enqueue_dma source(%dma_start3A_86 : memref<2048xi32, #tpu.memory_space<hbm>>) target(%arg9 : memref<2048xi32, #tpu.memory_space<vmem>>) target_semaphore(%arg13 : memref<!tpu.dma_semaphore, #tpu.memory_space<semaphore_mem>>)
    } else {
    }
    %ge3A = arith.constant 4 : i32
    %ge3A_7 = arith.cmpi sge, %add3A, %ge3A : i32
    %lt3A_8 = arith.constant 8 : i32
    %lt3A_9 = arith.cmpi slt, %add3A, %lt3A_8 : i32
    %and3A = arith.andi %ge3A_7, %lt3A_9 : i1
    %convert_element_type3A_10 = arith.extui %and3A : i1 to i32
    %cond3A_11 = arith.constant 0 : i32
    %cond3A_12 = arith.cmpi ne, %convert_element_type3A_10, %cond3A_11 : i32
    scf.if %cond3A_12 {
      tpu.enqueue_dma source(%arg3 : memref<256xi32, #tpu.memory_space<hbm>>) target(%arg10 : memref<256xi32, #tpu.memory_space<vmem>>) target_semaphore(%arg13 : memref<!tpu.dma_semaphore, #tpu.memory_space<semaphore_mem>>)
    } else {
    }
    %dma_wait3A = arith.constant 0 : i32
    %dma_wait3A_13 = arith.constant 0 : i32
    %dma_wait3A_14 = tpu.memref_slice %arg4[%dma_wait3A, %dma_wait3A_13] : memref<256x1024xf32, #tpu.memory_space<hbm>> -> memref<256x1024xf32, #tpu.memory_space<hbm>>
    tpu.wait_indirect_dma semaphore(%arg11 : memref<!tpu.dma_semaphore, #tpu.memory_space<semaphore_mem>>) src(%dma_wait3A_14 : memref<256x1024xf32, #tpu.memory_space<hbm>>) dst(%arg8 : memref<8x1024xf32, #tpu.memory_space<vmem>>)
    %add3A_15 = arith.constant 0 : i32
    %add3A_16 = arith.addi %add3A_15, %mul3A_2 : i32
    %dma_start3A_17 = arith.constant 0 : i32
    %dma_start3A_18 = tpu.memref_slice %arg6[%add3A_16, %dma_start3A_17] : memref<1024x1024xf32, #tpu.memory_space<hbm>> -> memref<8x1024xf32, #tpu.memory_space<hbm>>
    %dma_start3A_19 = arith.constant 0 : i32
    %dma_start3A_20 = tpu.memref_slice %arg6[%add3A_16, %dma_start3A_19] : memref<1024x1024xf32, #tpu.memory_space<hbm>> -> memref<8x1024xf32, #tpu.memory_space<hbm>>
    tpu.enqueue_dma source(%arg8 : memref<8x1024xf32, #tpu.memory_space<vmem>>) target(%dma_start3A_20 : memref<8x1024xf32, #tpu.memory_space<hbm>>) target_semaphore(%arg12 : memref<!tpu.dma_semaphore, #tpu.memory_space<semaphore_mem>>)
    %add3A_21 = arith.constant 256 : i32
    %add3A_22 = arith.addi %add3A_21, %mul3A_2 : i32
    %dma_start3A_23 = arith.constant 0 : i32
    %dma_start3A_24 = tpu.memref_slice %arg6[%add3A_22, %dma_start3A_23] : memref<1024x1024xf32, #tpu.memory_space<hbm>> -> memref<8x1024xf32, #tpu.memory_space<hbm>>
    %dma_start3A_25 = arith.constant 0 : i32
    %dma_start3A_26 = tpu.memref_slice %arg6[%add3A_22, %dma_start3A_25] : memref<1024x1024xf32, #tpu.memory_space<hbm>> -> memref<8x1024xf32, #tpu.memory_space<hbm>>
    tpu.enqueue_dma source(%arg8 : memref<8x1024xf32, #tpu.memory_space<vmem>>) target(%dma_start3A_26 : memref<8x1024xf32, #tpu.memory_space<hbm>>) target_semaphore(%arg12 : memref<!tpu.dma_semaphore, #tpu.memory_space<semaphore_mem>>)
    %add3A_27 = arith.constant 512 : i32
    %add3A_28 = arith.addi %add3A_27, %mul3A_2 : i32
    %dma_start3A_29 = arith.constant 0 : i32
    %dma_start3A_30 = tpu.memref_slice %arg6[%add3A_28, %dma_start3A_29] : memref<1024x1024xf32, #tpu.memory_space<hbm>> -> memref<8x1024xf32, #tpu.memory_space<hbm>>
    %dma_start3A_31 = arith.constant 0 : i32
    %dma_start3A_32 = tpu.memref_slice %arg6[%add3A_28, %dma_start3A_31] : memref<1024x1024xf32, #tpu.memory_space<hbm>> -> memref<8x1024xf32, #tpu.memory_space<hbm>>
    tpu.enqueue_dma source(%arg8 : memref<8x1024xf32, #tpu.memory_space<vmem>>) target(%dma_start3A_32 : memref<8x1024xf32, #tpu.memory_space<hbm>>) target_semaphore(%arg12 : memref<!tpu.dma_semaphore, #tpu.memory_space<semaphore_mem>>)
    %add3A_33 = arith.constant 768 : i32
    %add3A_34 = arith.addi %add3A_33, %mul3A_2 : i32
    %dma_start3A_35 = arith.constant 0 : i32
    %dma_start3A_36 = tpu.memref_slice %arg6[%add3A_34, %dma_start3A_35] : memref<1024x1024xf32, #tpu.memory_space<hbm>> -> memref<8x1024xf32, #tpu.memory_space<hbm>>
    %dma_start3A_37 = arith.constant 0 : i32
    %dma_start3A_38 = tpu.memref_slice %arg6[%add3A_34, %dma_start3A_37] : memref<1024x1024xf32, #tpu.memory_space<hbm>> -> memref<8x1024xf32, #tpu.memory_space<hbm>>
    tpu.enqueue_dma source(%arg8 : memref<8x1024xf32, #tpu.memory_space<vmem>>) target(%dma_start3A_38 : memref<8x1024xf32, #tpu.memory_space<hbm>>) target_semaphore(%arg12 : memref<!tpu.dma_semaphore, #tpu.memory_space<semaphore_mem>>)
    %lt3A_39 = arith.constant 4 : i32
    %lt3A_40 = arith.cmpi slt, %add3A, %lt3A_39 : i32
    %convert_element_type3A_41 = arith.extui %lt3A_40 : i1 to i32
    %cond3A_42 = arith.constant 0 : i32
    %cond3A_43 = arith.cmpi ne, %convert_element_type3A_41, %cond3A_42 : i32
    scf.if %cond3A_43 {
      %dma_wait3A_81 = arith.constant 0 : i32
      %dma_wait3A_82 = tpu.memref_slice %arg2[%add3A, %dma_wait3A_81] : memref<4x2048xi32, #tpu.memory_space<hbm>> -> memref<1x2048xi32, #tpu.memory_space<hbm>>
      %dma_wait3A_83 = tpu.memref_squeeze %dma_wait3A_82 : memref<1x2048xi32, #tpu.memory_space<hbm>> -> memref<2048xi32, #tpu.memory_space<hbm>>
      %dma_wait3A_84 = arith.constant 0 : i32
      %dma_wait3A_85 = tpu.memref_slice %arg2[%add3A, %dma_wait3A_84] : memref<4x2048xi32, #tpu.memory_space<hbm>> -> memref<1x2048xi32, #tpu.memory_space<hbm>>
      %dma_wait3A_86 = tpu.memref_squeeze %dma_wait3A_85 : memref<1x2048xi32, #tpu.memory_space<hbm>> -> memref<2048xi32, #tpu.memory_space<hbm>>
      tpu.wait_dma2 semaphore(%arg13 : memref<!tpu.dma_semaphore, #tpu.memory_space<semaphore_mem>>) src(%dma_wait3A_86 : memref<2048xi32, #tpu.memory_space<hbm>>) dst(%arg9 : memref<2048xi32, #tpu.memory_space<vmem>>)
      %dma_start3A_87 = arith.constant 256 : i32
      %dma_start3A_88 = tpu.memref_slice %arg5[%add3A, %dma_start3A_87] : memref<4x2304xi32, #tpu.memory_space<hbm>> -> memref<1x2048xi32, #tpu.memory_space<hbm>>
      %dma_start3A_89 = tpu.memref_squeeze %dma_start3A_88 : memref<1x2048xi32, #tpu.memory_space<hbm>> -> memref<2048xi32, #tpu.memory_space<hbm>>
      %dma_start3A_90 = arith.constant 256 : i32
      %dma_start3A_91 = tpu.memref_slice %arg5[%add3A, %dma_start3A_90] : memref<4x2304xi32, #tpu.memory_space<hbm>> -> memref<1x2048xi32, #tpu.memory_space<hbm>>
      %dma_start3A_92 = tpu.memref_squeeze %dma_start3A_91 : memref<1x2048xi32, #tpu.memory_space<hbm>> -> memref<2048xi32, #tpu.memory_space<hbm>>
      tpu.enqueue_dma source(%arg9 : memref<2048xi32, #tpu.memory_space<vmem>>) target(%dma_start3A_92 : memref<2048xi32, #tpu.memory_space<hbm>>) target_semaphore(%arg14 : memref<!tpu.dma_semaphore, #tpu.memory_space<semaphore_mem>>)
    } else {
    }
    %ge3A_44 = arith.constant 4 : i32
    %ge3A_45 = arith.cmpi sge, %add3A, %ge3A_44 : i32
    %lt3A_46 = arith.constant 8 : i32
    %lt3A_47 = arith.cmpi slt, %add3A, %lt3A_46 : i32
    %and3A_48 = arith.andi %ge3A_45, %lt3A_47 : i1
    %convert_element_type3A_49 = arith.extui %and3A_48 : i1 to i32
    %cond3A_50 = arith.constant 0 : i32
    %cond3A_51 = arith.cmpi ne, %convert_element_type3A_49, %cond3A_50 : i32
    scf.if %cond3A_51 {
      tpu.wait_dma2 semaphore(%arg13 : memref<!tpu.dma_semaphore, #tpu.memory_space<semaphore_mem>>) src(%arg3 : memref<256xi32, #tpu.memory_space<hbm>>) dst(%arg10 : memref<256xi32, #tpu.memory_space<vmem>>)
      %sub3A = arith.constant 4 : i32
      %sub3A_81 = arith.subi %add3A, %sub3A : i32
      %dma_start3A_82 = arith.constant 0 : i32
      %dma_start3A_83 = tpu.memref_slice %arg5[%sub3A_81, %dma_start3A_82] : memref<4x2304xi32, #tpu.memory_space<hbm>> -> memref<1x256xi32, #tpu.memory_space<hbm>>
      %dma_start3A_84 = tpu.memref_squeeze %dma_start3A_83 : memref<1x256xi32, #tpu.memory_space<hbm>> -> memref<256xi32, #tpu.memory_space<hbm>>
      %dma_start3A_85 = arith.constant 0 : i32
      %dma_start3A_86 = tpu.memref_slice %arg5[%sub3A_81, %dma_start3A_85] : memref<4x2304xi32, #tpu.memory_space<hbm>> -> memref<1x256xi32, #tpu.memory_space<hbm>>
      %dma_start3A_87 = tpu.memref_squeeze %dma_start3A_86 : memref<1x256xi32, #tpu.memory_space<hbm>> -> memref<256xi32, #tpu.memory_space<hbm>>
      tpu.enqueue_dma source(%arg10 : memref<256xi32, #tpu.memory_space<vmem>>) target(%dma_start3A_87 : memref<256xi32, #tpu.memory_space<hbm>>) target_semaphore(%arg14 : memref<!tpu.dma_semaphore, #tpu.memory_space<semaphore_mem>>)
    } else {
    }
    %dma_wait3A_52 = arith.constant 0 : i32
    %dma_wait3A_53 = tpu.memref_slice %arg6[%add3A_16, %dma_wait3A_52] : memref<1024x1024xf32, #tpu.memory_space<hbm>> -> memref<8x1024xf32, #tpu.memory_space<hbm>>
    %dma_wait3A_54 = arith.constant 0 : i32
    %dma_wait3A_55 = tpu.memref_slice %arg6[%add3A_16, %dma_wait3A_54] : memref<1024x1024xf32, #tpu.memory_space<hbm>> -> memref<8x1024xf32, #tpu.memory_space<hbm>>
    tpu.wait_dma2 semaphore(%arg12 : memref<!tpu.dma_semaphore, #tpu.memory_space<semaphore_mem>>) src(%arg8 : memref<8x1024xf32, #tpu.memory_space<vmem>>) dst(%dma_wait3A_55 : memref<8x1024xf32, #tpu.memory_space<hbm>>)
    %dma_wait3A_56 = arith.constant 0 : i32
    %dma_wait3A_57 = tpu.memref_slice %arg6[%add3A_22, %dma_wait3A_56] : memref<1024x1024xf32, #tpu.memory_space<hbm>> -> memref<8x1024xf32, #tpu.memory_space<hbm>>
    %dma_wait3A_58 = arith.constant 0 : i32
    %dma_wait3A_59 = tpu.memref_slice %arg6[%add3A_22, %dma_wait3A_58] : memref<1024x1024xf32, #tpu.memory_space<hbm>> -> memref<8x1024xf32, #tpu.memory_space<hbm>>
    tpu.wait_dma2 semaphore(%arg12 : memref<!tpu.dma_semaphore, #tpu.memory_space<semaphore_mem>>) src(%arg8 : memref<8x1024xf32, #tpu.memory_space<vmem>>) dst(%dma_wait3A_59 : memref<8x1024xf32, #tpu.memory_space<hbm>>)
    %dma_wait3A_60 = arith.constant 0 : i32
    %dma_wait3A_61 = tpu.memref_slice %arg6[%add3A_28, %dma_wait3A_60] : memref<1024x1024xf32, #tpu.memory_space<hbm>> -> memref<8x1024xf32, #tpu.memory_space<hbm>>
    %dma_wait3A_62 = arith.constant 0 : i32
    %dma_wait3A_63 = tpu.memref_slice %arg6[%add3A_28, %dma_wait3A_62] : memref<1024x1024xf32, #tpu.memory_space<hbm>> -> memref<8x1024xf32, #tpu.memory_space<hbm>>
    tpu.wait_dma2 semaphore(%arg12 : memref<!tpu.dma_semaphore, #tpu.memory_space<semaphore_mem>>) src(%arg8 : memref<8x1024xf32, #tpu.memory_space<vmem>>) dst(%dma_wait3A_63 : memref<8x1024xf32, #tpu.memory_space<hbm>>)
    %dma_wait3A_64 = arith.constant 0 : i32
    %dma_wait3A_65 = tpu.memref_slice %arg6[%add3A_34, %dma_wait3A_64] : memref<1024x1024xf32, #tpu.memory_space<hbm>> -> memref<8x1024xf32, #tpu.memory_space<hbm>>
    %dma_wait3A_66 = arith.constant 0 : i32
    %dma_wait3A_67 = tpu.memref_slice %arg6[%add3A_34, %dma_wait3A_66] : memref<1024x1024xf32, #tpu.memory_space<hbm>> -> memref<8x1024xf32, #tpu.memory_space<hbm>>
    tpu.wait_dma2 semaphore(%arg12 : memref<!tpu.dma_semaphore, #tpu.memory_space<semaphore_mem>>) src(%arg8 : memref<8x1024xf32, #tpu.memory_space<vmem>>) dst(%dma_wait3A_67 : memref<8x1024xf32, #tpu.memory_space<hbm>>)
    %lt3A_68 = arith.constant 4 : i32
    %lt3A_69 = arith.cmpi slt, %add3A, %lt3A_68 : i32
    %convert_element_type3A_70 = arith.extui %lt3A_69 : i1 to i32
    %cond3A_71 = arith.constant 0 : i32
    %cond3A_72 = arith.cmpi ne, %convert_element_type3A_70, %cond3A_71 : i32
    scf.if %cond3A_72 {
      %dma_wait3A_81 = arith.constant 256 : i32
      %dma_wait3A_82 = tpu.memref_slice %arg5[%add3A, %dma_wait3A_81] : memref<4x2304xi32, #tpu.memory_space<hbm>> -> memref<1x2048xi32, #tpu.memory_space<hbm>>
      %dma_wait3A_83 = tpu.memref_squeeze %dma_wait3A_82 : memref<1x2048xi32, #tpu.memory_space<hbm>> -> memref<2048xi32, #tpu.memory_space<hbm>>
      %dma_wait3A_84 = arith.constant 256 : i32
      %dma_wait3A_85 = tpu.memref_slice %arg5[%add3A, %dma_wait3A_84] : memref<4x2304xi32, #tpu.memory_space<hbm>> -> memref<1x2048xi32, #tpu.memory_space<hbm>>
      %dma_wait3A_86 = tpu.memref_squeeze %dma_wait3A_85 : memref<1x2048xi32, #tpu.memory_space<hbm>> -> memref<2048xi32, #tpu.memory_space<hbm>>
      tpu.wait_dma2 semaphore(%arg14 : memref<!tpu.dma_semaphore, #tpu.memory_space<semaphore_mem>>) src(%arg9 : memref<2048xi32, #tpu.memory_space<vmem>>) dst(%dma_wait3A_86 : memref<2048xi32, #tpu.memory_space<hbm>>)
    } else {
    }
    %ge3A_73 = arith.constant 4 : i32
    %ge3A_74 = arith.cmpi sge, %add3A, %ge3A_73 : i32
    %lt3A_75 = arith.constant 8 : i32
    %lt3A_76 = arith.cmpi slt, %add3A, %lt3A_75 : i32
    %and3A_77 = arith.andi %ge3A_74, %lt3A_76 : i1
    %convert_element_type3A_78 = arith.extui %and3A_77 : i1 to i32
    %cond3A_79 = arith.constant 0 : i32
    %cond3A_80 = arith.cmpi ne, %convert_element_type3A_78, %cond3A_79 : i32
    scf.if %cond3A_80 {
      %sub3A = arith.constant 4 : i32
      %sub3A_81 = arith.subi %add3A, %sub3A : i32
      %dma_wait3A_82 = arith.constant 0 : i32
      %dma_wait3A_83 = tpu.memref_slice %arg5[%sub3A_81, %dma_wait3A_82] : memref<4x2304xi32, #tpu.memory_space<hbm>> -> memref<1x256xi32, #tpu.memory_space<hbm>>
      %dma_wait3A_84 = tpu.memref_squeeze %dma_wait3A_83 : memref<1x256xi32, #tpu.memory_space<hbm>> -> memref<256xi32, #tpu.memory_space<hbm>>
      %dma_wait3A_85 = arith.constant 0 : i32
      %dma_wait3A_86 = tpu.memref_slice %arg5[%sub3A_81, %dma_wait3A_85] : memref<4x2304xi32, #tpu.memory_space<hbm>> -> memref<1x256xi32, #tpu.memory_space<hbm>>
      %dma_wait3A_87 = tpu.memref_squeeze %dma_wait3A_86 : memref<1x256xi32, #tpu.memory_space<hbm>> -> memref<256xi32, #tpu.memory_space<hbm>>
      tpu.wait_dma2 semaphore(%arg14 : memref<!tpu.dma_semaphore, #tpu.memory_space<semaphore_mem>>) src(%arg10 : memref<256xi32, #tpu.memory_space<vmem>>) dst(%dma_wait3A_87 : memref<256xi32, #tpu.memory_space<hbm>>)
    } else {
    }
    return
  }
}

</mosaic_0001>

<sc_bundles>
// kernel: _sc_call.3.cloned.1.call-start
scs
__scs_entry_jumppad:
0x0: {  	(pc) =	sbr.rel $0x88, $3  }
0x1: {  	(tag) =	ssettag $0x0;
	lr =	simm.s32 $0x1  }
0x2: {  	[smem:$0x3F9E] =	sst lr;
	_ =	strace $0xD0000000  }
0x3: {  	_ = 	snop  }
0x4: {  	_ = 	snop  }
0x5: {  	_ = 	snop  }
0x6: {  	_ = 	snop  }
0x7: {  	_ = 	snop  }
__scs_overlays_trampoline_lowered:
0x8: {  	[smem:$0x3FAD] =	sst s0  }
0x9: {  	[smem:$0x3FAE] =	sst s1  }
0xa: {  	[smem:$0x3FAF] =	sst s2  }
0xb: {  	[smem:$0x3FB0] =	sst s3  }
0xc: {  	[smem:$0x3FB1] =	sst s4  }
0xd: {  	[smem:$0x3FB2] =	sst s5  }
0xe: {  	[smem:$0x3FB3] =	sst s6  }
0xf: {  	[smem:$0x3FB4] =	sst s7  }
0x10: {  	[smem:$0x3FB5] =	sst s8  }
0x11: {  	[smem:$0x3FB6] =	sst s9;
	s0 =	simm.s32 @!p0 $0x0  }
0x12: {  	s1 =	sld [smem:$0x3F9C];
	s0 =	simm.s32 @p0 $0x1  }
0x13: {  	[smem:$0x3FB7] =	sst s0;
	s0 =	simm.s32 @!p1 $0x0  }
0x14: {  	s2 =	sld [smem:$0x3F9B];
	s0 =	simm.s32 @p1 $0x1  }
0x15: {  	[smem:$0x3FB8] =	sst s0;
	s0 =	simm.s32 @!p2 $0x0  }
0x16: {  	s3 =	sld [smem:$0x3FDB];
	s0 =	simm.s32 @p2 $0x1  }
0x17: {  	s4 =	simm.s32 $0x1BF5;
	[smem:$0x3FBA] =	sst s0  }
0x18: {  	s0 =	sld [smem:$0x3F9D];
	_ =	swait.ge [sflag:s4], $0x0  }
0x19: {  	s7 =	sld [smem:$0x3F9E]  }
0x1a: {  	s8 =	sadd.s32 $0xFFFFE003, lr  }
0x1b: {  	s9 =	sadd.s32 $0xFFFFFEF7, lr;
	s5 =	simm.s32 $0xFFFFFFFF;
	p2 =	slt.u32 s8, $0xFFFFF086  }
0x1c: {  	p1 =	slt.u32 s9, $0xF7A;
	s5 =	simm.s32 @!p2 $0x0  }
0x1d: {  	s5 =	simm.s32 @p1 $0x1;
	p0 =	seq.s32 s7, s2  }
0x1e: {  	s7 =	smul.u32 @!p0 $0xF7A, s2;
	p2 =	seq.s32 @!p0 s5, $0x0  }
0x1f: {  	s9 =	smul.u32 $0xF7A, s1;
	s8 =	simm.s32 @!p0 $0x1BF5;
	p2 =	por !p2, p0  }
0x20: {  	[sflag:s8] =	ssyncset.s32 @!p0 $0xFFFFF086;
	s6 =	sadd.s32 @!p0 s3, s7;
	s7 =	simm.s32 @!p0 $0x108  }
0x21: {  	s3 =	sadd.s32 s3, s9;
	s6 =	sadd.s32 @!p0 $0x88, s6;
	s7 =	simm.s32 @p2 $0x1082  }
0x22: {  	[simem:s7], [sflag:s8] =	dma.local @!p0 [hbm:s6], $0xF7A  }
0x23: {  	s9 =	sor.u32 $0xD0000000, s2;
	s6 =	simm.s32 $0x108;
	_ =	swait.ge @!p0 [sflag:s8], $0x0  }
0x24: {  	s3 =	sadd.s32 $0x88, s3;
	s6 =	simm.s32 @!p1 $0x1082;
	[sflag:s4] =	ssyncset.s32 $0xFFFFF086  }
0x25: {  	[simem:s6], [sflag:s4] =	dma.local [hbm:s3], $0xF7A  }
0x26: {  	[smem:$0x3F9E] =	sst s1;
	(tag) =	ssettag s2;
	_ =	strace s9  }
0x27: {  	s1 =	sld [smem:$0x3FAE]  }
0x28: {  	s2 =	sld [smem:$0x3FAF]  }
0x29: {  	s4 =	sld [smem:$0x3FB1]  }
0x2a: {  	p0 =	seq.s32 s5, $0x0;
	s5 =	sld [smem:$0x3FB2]  }
0x2b: {  	s6 =	sld [smem:$0x3FB3]  }
0x2c: {  	s7 =	sld [smem:$0x3FB4]  }
0x2d: {  	s3 =	simm.s32 $0x108;
	s8 =	sld [smem:$0x3FB5]  }
0x2e: {  	s3 =	simm.s32 @!p0 $0x1082;
	s9 =	sld [smem:$0x3FB6]  }
0x2f: {  	lr =	sadd.s32 s0, s3;
	s0 =	sld [smem:$0x3FAD]  }
0x30: {  	s3 =	sld [smem:$0x3FB0]  }
0x31: {  	[smem:$0x3FB9] =	sst s10  }
0x32: {  	s10 =	sld [smem:$0x3FB7];
	_ =	sdelay $0x3  }
0x33: {  	p0 =	seq.s32 s10, $0x1;
	s10 =	sld [smem:$0x3FB9];
	_ =	sdelay $0x3  }
0x34: {  	[smem:$0x3FB9] =	sst s10  }
0x35: {  	s10 =	sld [smem:$0x3FB8];
	_ =	sdelay $0x3  }
0x36: {  	p1 =	seq.s32 s10, $0x1;
	s10 =	sld [smem:$0x3FB9];
	_ =	sdelay $0x3  }
0x37: {  	[smem:$0x3FB9] =	sst s10  }
0x38: {  	s10 =	sld [smem:$0x3FBA]  }
0x39: {  	_ = 	snop;
	(pc) =	sbr.ind lr, $3  }
0x3a: {  	_ = 	snop  }
0x3b: {  	_ = 	snop  }
0x3c: {  	p2 =	seq.s32 s10, $0x1;
	s10 =	sld [smem:$0x3FB9]  }
0x3d: {  	_ =	shalt  }
0x3e: {  	_ =	shalt  }
0x3f: {  	_ =	shalt  }
0x40: {  	_ =	shalt  }
0x41: {  	_ =	shalt  }
0x42: {  	_ =	shalt  }
0x43: {  	_ =	shalt  }
0x44: {  	_ =	shalt  }
0x45: {  	_ =	shalt  }
0x46: {  	_ =	shalt  }
0x47: {  	_ =	shalt  }
0x48: {  	_ =	shalt  }
0x49: {  	_ =	shalt  }
0x4a: {  	_ =	shalt  }
0x4b: {  	_ =	shalt  }
0x4c: {  	_ =	shalt  }
0x4d: {  	_ =	shalt  }
0x4e: {  	_ =	shalt  }
0x4f: {  	_ =	shalt  }
0x50: {  	_ =	shalt  }
0x51: {  	_ =	shalt  }
0x52: {  	_ =	shalt  }
0x53: {  	_ =	shalt  }
0x54: {  	_ =	shalt  }
0x55: {  	_ =	shalt  }
0x56: {  	_ =	shalt  }
0x57: {  	_ =	shalt  }
0x58: {  	_ =	shalt  }
0x59: {  	_ =	shalt  }
0x5a: {  	_ =	shalt  }
0x5b: {  	_ =	shalt  }
0x5c: {  	_ =	shalt  }
0x5d: {  	_ =	shalt  }
0x5e: {  	_ =	shalt  }
0x5f: {  	_ =	shalt  }
0x60: {  	_ =	shalt  }
0x61: {  	_ =	shalt  }
0x62: {  	_ =	shalt  }
0x63: {  	_ =	shalt  }
0x64: {  	_ =	shalt  }
0x65: {  	_ =	shalt  }
0x66: {  	_ =	shalt  }
0x67: {  	_ =	shalt  }
0x68: {  	_ =	shalt  }
0x69: {  	_ =	shalt  }
0x6a: {  	_ =	shalt  }
0x6b: {  	_ =	shalt  }
0x6c: {  	_ =	shalt  }
0x6d: {  	_ =	shalt  }
0x6e: {  	_ =	shalt  }
0x6f: {  	_ =	shalt  }
0x70: {  	_ =	shalt  }
0x71: {  	_ =	shalt  }
0x72: {  	_ =	shalt  }
0x73: {  	_ =	shalt  }
0x74: {  	_ =	shalt  }
0x75: {  	_ =	shalt  }
0x76: {  	_ =	shalt  }
0x77: {  	_ =	shalt  }
0x78: {  	_ =	shalt  }
0x79: {  	_ =	shalt  }
0x7a: {  	_ =	shalt  }
0x7b: {  	_ =	shalt  }
0x7c: {  	_ =	shalt  }
0x7d: {  	_ =	shalt  }
0x7e: {  	_ =	shalt  }
0x7f: {  	_ =	shalt  }
0x80: {  	_ =	shalt  }
0x81: {  	_ =	shalt  }
0x82: {  	_ =	shalt  }
0x83: {  	_ =	shalt  }
0x84: {  	_ =	shalt  }
0x85: {  	_ =	shalt  }
0x86: {  	_ =	shalt  }
0x87: {  	_ =	shalt  }
.Lfunc_end0:
.L_simem_size_0:
called_computation_lowered:
.L_overlay_start_0:
0x88: {  	s2 =	sld [smem:$0x3FD9]  }
0x89: {  	s3 =	sld [smem:$0x3FFE];
	_ =	sdelay $0x1  }
0x8a: {  	s1 =	srdreg.scid  }
0x8b: {  	s0 =	sand.u32 $0x1, s1  }
0x8c: {  	s15 =	sshll.u32 s0, $0xA;
	s2 =	sadd.s32 s3, s2  }
0x8d: {  	s2 =	sadd.s32 s2, s15  }
0x8e: {  	[smem:$0x3FC5] =	sst s2  }
0x8f: {  	_ = 	snop  }
0x90: {  	s2 =	sld [smem:$0x3FD0]  }
0x91: {  	s16 =	sld [smem:$0x3FC9]  }
0x92: {  	s4 =	sld [smem:$0x3FC8]  }
0x93: {  	s6 =	simm.s32 $0xA;
	s7 =	simm.s32 $0x10;
	s5 =	sld [smem:$0x3FC7]  }
0x94: {  	[smem:s7], [sflag:s6] =	dma.local [hbm:s2], $0x1  }
0x95: {  	_ =	swait.eq [sflag:s6], $0x1  }
0x96: {  	[sflag:s6] =	ssyncset.done $0x0  }
0x97: {  	s17 =	sld [smem:$0x10];
	[sflag:s6] =	ssyncadd.s32 $0xFFFFFFFF  }
0x98: {  	s18 =	sld [smem:$0x11];
	(tm) =	ssettm $0x1  }
0x99: {  	s19 =	sld [smem:$0x3FFB];
	_ =	sdelay $0x3  }
0x9a: {  	_ =	strace s19  }
0x9b: {  	s7 =	sld [smem:$0x3FFC];
	_ =	sdelay $0x3  }
0x9c: {  	_ =	strace s7  }
0x9d: {  	s7 =	sld [smem:$0x3FFD];
	_ =	sdelay $0x3  }
0x9e: {  	_ =	strace s7  }
0x9f: {  	_ =	strace $0x8FFFFFFF  }
0xa0: {  	s20 =	sld [smem:$0x3FDB];
	_ =	sdelay $0x1  }
0xa1: {  	s8 =	simm.s32 $_scs_section_size  }
0xa2: {  	s9 =	simm.s32 $_size__tile_overlayer_lowered;
	s10 =	simm.s32 $_tile_overlayer_lowered  }
0xa3: {  	s23 =	simm.s32 $0x1BFF;
	s22 =	sshll.u32 s10, $0x1;
	s7 =	sadd.s32 s8, s20  }
0xa4: {  	s11 =	simm.s32 $0x0;
	s21 =	sshll.u32 s9, $0x1;
	s9 =	sadd.s32 s22, s7  }
0xa5: {  	[timem:s11], [sflag:s23] =	dma.local [hbm:s9], s21  }
0xa6: {  	_ =	swait.ge [sflag:s23], s21  }
0xa7: {  	s8 =	ssub.s32 $0x0, s21;
	[sflag:s23] =	ssyncset.done $0x0  }
0xa8: {  	[sflag:s23] =	ssyncadd.s32 s8;
	_ =	sdelay $0x1  }
0xa9: {  	s24 =	simm.s32 $0x1B8B  }
0xaa: {  	_ =	swait.ge [sflag:s24], $0x1  }
0xab: {  	[sflag:s24] =	ssyncset.done $0x0  }
0xac: {  	s25 =	simm.s32 $0x1B8E;
	[sflag:s24] =	ssyncadd.s32 $0xFFFFFFFF  }
0xad: {  	s26 =	simm.s32 $execute0_lowered;
	[smem:$0x3FD2] =	sst s25  }
0xae: {  	s8 =	sshll.u32 s26, $0x1;
	_ =	strace $0x80000046;
	[dreg:$0x1] =	wrdreg $0xFFFFFFFF  }
0xaf: {  	s28 =	simm.s32 $_size_execute0_lowered;
	s7 =	sadd.s32 s7, s8;
	[dreg:$0x0] =	wrdreg $0x0  }
0xb0: {  	s8 =	sshll.u32 s28, $0x1;
	[dreg:$0x2] =	wrdreg s7  }
0xb1: {  	[dreg:$0x3] =	wrdreg s8  }
0xb2: {  	[dreg:$0x4] =	wrdreg $0xC0  }
0xb3: {  	_ =	task [dreg:s11], $0x5FFFF  }
0xb4: {  	[dreg:$0x1] =	wrdreg $0xFFFFFFFF  }
0xb5: {  	[dreg:$0x0] =	wrdreg $0x60  }
0xb6: {  	[dreg:$0x2] =	wrdreg s16  }
0xb7: {  	[dreg:$0x3] =	wrdreg s4  }
0xb8: {  	[dreg:$0x4] =	wrdreg s5  }
0xb9: {  	[dreg:$0x5] =	wrdreg s17  }
0xba: {  	[dreg:$0x6] =	wrdreg s18  }
0xbb: {  	[dreg:$0x7] =	wrdreg $0x9  }
0xbc: {  	_ =	task.clear_ibuf [dreg:s11], $0x8FFFF;
	_ =	strace $0x90000046  }
0xbd: {  	s29 =	simm.s32 $0x9;
	_ =	strace $0x80000048  }
0xbe: {  	_ =	swait.ge [sflag:s29], $0x1  }
0xbf: {  	[sflag:s29] =	ssyncadd.s32 $0xFFFFFFFF  }
0xc0: {  	_ =	strace $0x90000048  }
0xc1: {  	_ =	sfence  }
0xc2: {  	s30 =	sld [smem:$0x0];
	_ =	sdelay $0x2  }
0xc3: {  	s31 =	sshll.u32 s1, $0xD;
	s1 =	sshrl.u32 s1, $0x2  }
0xc4: {  	s3 =	sand.u32 $0x4000, s31;
	s1 =	sadd.s32 s1, s30  }
0xc5: {  	s0 =	sor.u32 s3, s0;
	s1 =	sshll.u32 s1, $0x11  }
0xc6: {  	s0 =	sor.u32 s1, s0  }
0xc7: {  	s0 =	sadd.s32 $0x8F2B, s0  }
0xc8: {  	[sflag:s0] =	ssyncadd.remote.s32 $0x1  }
0xc9: {  	_ =	sfence.sel $0xFFFF  }
0xca: {  	[dreg:$0x0] =	wrdreg $0xFFFFFFFF;
	(pc) =	sbr.abs _section_cstart, $3  }
0xcb: {  	[dreg:$0x1] =	wrdreg $0xFFFFFFFF  }
0xcc: {  	_ =	task.clear_ibuf [dreg:s11], $0x2FFFF;
	_ =	strace $0x9FFFFFFF  }
0xcd: {  	(tm) =	ssettm $0x7FFFFFFF  }
tec
execute0_lowered:
.L_overlay_start_1:
0x0: {  	(tag) =	ssettag $0x1  }
0x1: {  	s0 =	rddreg [dreg:$0x0]  }
0x2: {  	s18 =	rddreg [dreg:$0x1]  }
0x3: {  	s19 =	rddreg [dreg:$0x2]  }
0x4: {  	s1 =	rddreg [dreg:$0x3]  }
0x5: {  	s3 =	rddreg [dreg:$0x4]  }
0x6: {  	s22 =	rddreg [dreg:$0x5]  }
0x7: {  	s4 =	srdreg.scid;
	s23 =	stileid.u32;
	s2 =	simm.s32 $0x0  }
0x8: {  	s21 =	simm.s32 $0x5;
	s16 =	simm.s32 $0x80;
	s20 =	simm.s32 $0x1080  }
0x9: {  	s17 =	simm.s32 $0x1;
	p2 =	por $0x0, $0x0;
	s4 =	sand.u32 $0x1, s4  }
0xa: {  	s5 =	sshll.u32 s23, $0x1;
	[smem:$0x7FF] =	sst s2;
	s13 =	sadd.s32 $0x100, s19  }
0xb: {  	s14 =	sadd.s32 $0x200, s19;
	s6 =	ssub.s32 $0x2, s4;
	s4 =	sor.u32 s4, s5  }
0xc: {  	s24 =	sshrl.u32 s6, $0x1;
	s25 =	sshll.u32 s4, $0x4;
	s29 =	sshll.u32 s4, $0x7  }
0xd: {  	s8 =	ssub.s32 s6, s24;
	s12 =	sadd.s32 s0, s25;
	s0 =	sadd.s32 $0xFFFFFE00, s29  }
0xe: {  	s15 =	sadd.s32 $0x300, s19;
	s0 =	sshrl.u32 s0, $0x3;
	s31 =	smax.u32 s8, $0x1  }
0xf: {  	s28 =	sand.u32 $0xE, s23;
	s5 =	sadd.s32 s1, s0;
	s0 =	sadd.s32 $0xFFFFFFFF, s31  }
0x10: {  	p0 =	sgt.u32 s23, $0x1;
	_ =	strace $0x80000047;
	p3 =	sne.s32 s0, $0x0  }
.Ltmp0:
0x11: {  	s7 =	sadd.s32 s18, s4;
	s26 =	sshll.u32 s4, $0xA;
	(pc) =	sbr.rel @!p3 .LBB2_1-.Ltmp0, $4  }
0x12: {  	p1 =	sne.s32 s28, $0x2;
	[dreg:$0x6] =	wrdreg s7;
	s7 =	sadd.s32 s3, s26  }
0x13: {  	v0 =	vlaneseq.u32;
	s30 =	sadd.s32 s25, s1;
	s24 =	simm.s32 $0x1880;
	s9 =	sadd.s32 $0x8000, s7  }
0x14: {  	v1 =	vshrl.u32 v0, $0x3;
	s10 =	sadd.s32 $0x10000, s7;
	s11 =	sadd.s32 $0x18000, s7;
	s6 =	sadd.s32 $0x80, s30  }
0x15: {  	vm0 =	vmmov $0xffff;
	v0 =	vand.u32 $0x7, v0;
	v1 =	vmul.u32 $0x8, v1;
	s8 =	simm.s32 $0x2;
	s4 =	rddreg [dreg:$0x6];
	s1 =	simm.s32 $0x880  }
0x16: {  	[tilespmem:s2], [sflag:$0x5] =	stream.linear.gather [hbm4b:s4+s2], $0x8, $0x38;
	[tilespmem:$0x2980] =	vst v63  }
0x17: {  	_ =	swait.ge [sflag:s21], $0x8  }
0x18: {  	[sflag:s21] =	ssyncset.done $0x0  }
0x19: {  	[sflag:s21] =	ssyncadd.s32 $0xFFFFFFF8  }
0x1a: {  	v2 =	vld.msk [tilespmem:$0x0], $0xff;
	_ =	sdelay $0x4  }
0x1b: {  	v3 =	vshll.u32 v2, $0x3  }
0x1c: {  	v2 =	vand.u32 $0x7, v2;
	v3 =	vand.u32 $0xFFFFFFC0, v3  }
0x1d: {  	v2 =	vor.u32 v2, v3  }
0x1e: {  	v2 =	vperm.xlane v2, v0;
	_ =	sdelay $0x1  }
0x1f: {  	v2 =	vadd.s32 v1, v2;
	_ =	sdelay $0x4  }
0x20: {  	[tilespmem:s16], [sflag:$0x1] =	stream.indirect_vreg.gather [hbm4b:s19+s2], $0x80, v2, vm0, $0xb8;
	[tilespmem:$0x2980] =	vst v63  }
0x21: {  	_ = 	snop  }
0x22: {  	[tilespmem:s1], [sflag:$0x1] =	stream.indirect_vreg.gather [hbm4b:s13+s2], $0x80, v2, vm0, $0xb8;
	[tilespmem:$0x2980] =	vst v63  }
0x23: {  	_ = 	snop  }
0x24: {  	[tilespmem:s20], [sflag:$0x1] =	stream.indirect_vreg.gather [hbm4b:s14+s2], $0x80, v2, vm0, $0xb8;
	[tilespmem:$0x2980] =	vst v63  }
0x25: {  	_ = 	snop  }
0x26: {  	[tilespmem:s24], [sflag:$0x1] =	stream.indirect_vreg.gather [hbm4b:s15+s2], $0x80, v2, vm0, $0xb8;
	[tilespmem:$0x2980] =	vst v63  }
0x27: {  	s22 =	simm.s32 @!p0 $0x80;
	s23 =	simm.s32 @!p0 $0x200;
	s24 =	simm.s32 @!p0 $0x2080  }
0x28: {  	[tilespmem:s24], [sflag:$0x3] =	stream.strided.gather @!p0 [hbm4b:s12+s22], $0x800, s23, s22, $0x38;
	[tilespmem:$0x2980] =	vst v63  }
0x29: {  	s26 =	simm.s32 @!p1 $0x2880;
	s19 =	simm.s32 @!p1 $0x0  }
0x2a: {  	[tilespmem:s26], [sflag:$0x3] =	stream.linear.gather @!p1 [hbm4b:s18+s19], $0x100, $0x38;
	[tilespmem:$0x2980] =	vst v63  }
0x2b: {  	_ =	swait.ge [sflag:s17], $0x2000  }
0x2c: {  	[sflag:s17] =	ssyncset.done $0x0  }
0x2d: {  	[sflag:s17] =	ssyncadd.s32 $0xFFFFE000  }
0x2e: {  	[hbm4b:s7+s2] =	stream.linear.scatter [tilespmem:s16], [sflag:$0x2], $0x2000, $0x38;
	[tilespmem:$0x2980] =	vst v63  }
0x2f: {  	_ = 	snop  }
0x30: {  	[hbm4b:s9+s2] =	stream.linear.scatter [tilespmem:s16], [sflag:$0x2], $0x2000, $0x38;
	[tilespmem:$0x2980] =	vst v63  }
0x31: {  	_ = 	snop  }
0x32: {  	[hbm4b:s10+s2] =	stream.linear.scatter [tilespmem:s16], [sflag:$0x2], $0x2000, $0x38;
	[tilespmem:$0x2980] =	vst v63  }
0x33: {  	s28 =	simm.s32 @!p0 $0x3  }
0x34: {  	[hbm4b:s11+s2] =	stream.linear.scatter [tilespmem:s16], [sflag:$0x2], $0x2000, $0x38;
	[tilespmem:$0x2980] =	vst v63  }
0x35: {  	_ =	swait.ge @!p0 [sflag:s28], $0x800  }
0x36: {  	[sflag:s28] =	ssyncset.done @!p0 $0x0  }
0x37: {  	s29 =	simm.s32 @!p1 $0x3;
	[sflag:s28] =	ssyncadd.s32 @!p0 $0xFFFFF800  }
0x38: {  	[hbm4b:s6+s22] =	stream.strided.scatter @!p0 [tilespmem:s24], [sflag:$0x4], $0x800, s23, s22, $0x38;
	[tilespmem:$0x2980] =	vst v63  }
0x39: {  	_ =	swait.ge @!p1 [sflag:s29], $0x100  }
0x3a: {  	[sflag:s29] =	ssyncset.done @!p1 $0x0  }
0x3b: {  	s30 =	simm.s32 @!p1 $0x80;
	s31 =	simm.s32 @!p1 $0x200;
	[sflag:s29] =	ssyncadd.s32 @!p1 $0xFFFFFF00  }
0x3c: {  	[hbm4b:s5+s30] =	stream.strided.scatter @!p1 [tilespmem:s26], [sflag:$0x4], $0x100, s31, s30, $0x38;
	[tilespmem:$0x2980] =	vst v63  }
0x3d: {  	_ =	swait.ge [sflag:s8], $0x2000  }
0x3e: {  	[sflag:s8] =	ssyncset.done $0x0  }
0x3f: {  	[sflag:s8] =	ssyncadd.s32 $0xFFFFE000  }
0x40: {  	_ =	swait.ge [sflag:s8], $0x2000  }
0x41: {  	[sflag:s8] =	ssyncset.done $0x0  }
0x42: {  	[sflag:s8] =	ssyncadd.s32 $0xFFFFE000  }
0x43: {  	_ =	swait.ge [sflag:s8], $0x2000  }
0x44: {  	[sflag:s8] =	ssyncset.done $0x0  }
0x45: {  	[sflag:s8] =	ssyncadd.s32 $0xFFFFE000  }
0x46: {  	_ =	swait.ge [sflag:s8], $0x2000  }
0x47: {  	s3 =	sadd.s32 $0xFFFFFFFF, s0;
	[sflag:s8] =	ssyncset.done $0x0  }
0x48: {  	p3 =	sne.s32 s3, $0x0;
	s1 =	simm.s32 @!p0 $0x4;
	[sflag:s8] =	ssyncadd.s32 $0xFFFFE000  }
.Ltmp1:
0x49: {  	_ =	swait.ge @!p0 [sflag:s1], $0x800;
	(pc) =	sbr.rel @!p3 .LBB2_3-.Ltmp1, $4  }
0x4a: {  	[sflag:s1] =	ssyncset.done @!p0 $0x0  }
0x4b: {  	s0 =	simm.s32 @!p1 $0x4;
	[sflag:s1] =	ssyncadd.s32 @!p0 $0xFFFFF800  }
0x4c: {  	s25 =	simm.s32 $0x1080;
	p2 =	por $0x1, $0x1;
	_ =	swait.ge @!p1 [sflag:s0], $0x100  }
0x4d: {  	s20 =	simm.s32 $0x880;
	s4 =	rddreg [dreg:$0x6];
	[sflag:s0] =	ssyncset.done @!p1 $0x0  }
.LBB2_4:
0x4e: {  	[sflag:s0] =	ssyncadd.s32 @!p1 $0xFFFFFF00  }
0x4f: {  	[tilespmem:s2], [sflag:$0x5] =	stream.linear.gather [hbm4b:s4+s2], $0x8, $0x38;
	[tilespmem:$0x2980] =	vst v63  }
0x50: {  	_ =	swait.ge [sflag:s21], $0x8  }
0x51: {  	[sflag:s21] =	ssyncset.done $0x0  }
0x52: {  	[sflag:s21] =	ssyncadd.s32 $0xFFFFFFF8  }
0x53: {  	v2 =	vld.msk [tilespmem:$0x0], $0xff;
	_ =	sdelay $0x4  }
0x54: {  	v3 =	vshll.u32 v2, $0x3  }
0x55: {  	v2 =	vand.u32 $0x7, v2;
	v3 =	vand.u32 $0xFFFFFFC0, v3  }
0x56: {  	v2 =	vor.u32 v2, v3  }
0x57: {  	v2 =	vperm.xlane v2, v0;
	_ =	sdelay $0x1  }
0x58: {  	v2 =	vadd.s32 v1, v2;
	_ =	sdelay $0x3  }
0x59: {  	s4 =	rddreg [dreg:$0x2]  }
0x5a: {  	[tilespmem:s16], [sflag:$0x1] =	stream.indirect_vreg.gather [hbm4b:s4+s2], $0x80, v2, vm0, $0xb8;
	[tilespmem:$0x2980] =	vst v63  }
0x5b: {  	_ = 	snop  }
0x5c: {  	[tilespmem:s20], [sflag:$0x1] =	stream.indirect_vreg.gather [hbm4b:s13+s2], $0x80, v2, vm0, $0xb8;
	[tilespmem:$0x2980] =	vst v63  }
0x5d: {  	_ = 	snop  }
0x5e: {  	[tilespmem:s25], [sflag:$0x1] =	stream.indirect_vreg.gather [hbm4b:s14+s2], $0x80, v2, vm0, $0xb8;
	[tilespmem:$0x2980] =	vst v63  }
0x5f: {  	s4 =	simm.s32 $0x1880  }
0x60: {  	[tilespmem:s4], [sflag:$0x1] =	stream.indirect_vreg.gather [hbm4b:s15+s2], $0x80, v2, vm0, $0xb8;
	[tilespmem:$0x2980] =	vst v63  }
0x61: {  	_ = 	snop  }
0x62: {  	[tilespmem:s24], [sflag:$0x3] =	stream.strided.gather @!p0 [hbm4b:s12+s22], $0x800, s23, s22, $0x38;
	[tilespmem:$0x2980] =	vst v63  }
0x63: {  	_ = 	snop  }
0x64: {  	[tilespmem:s26], [sflag:$0x3] =	stream.linear.gather @!p1 [hbm4b:s18+s19], $0x100, $0x38;
	[tilespmem:$0x2980] =	vst v63  }
0x65: {  	_ =	swait.ge [sflag:s17], $0x2000  }
0x66: {  	[sflag:s17] =	ssyncset.done $0x0  }
0x67: {  	[sflag:s17] =	ssyncadd.s32 $0xFFFFE000  }
0x68: {  	[hbm4b:s7+s2] =	stream.linear.scatter [tilespmem:s16], [sflag:$0x2], $0x2000, $0x38;
	[tilespmem:$0x2980] =	vst v63  }
0x69: {  	_ = 	snop  }
0x6a: {  	[hbm4b:s9+s2] =	stream.linear.scatter [tilespmem:s16], [sflag:$0x2], $0x2000, $0x38;
	[tilespmem:$0x2980] =	vst v63  }
0x6b: {  	_ = 	snop  }
0x6c: {  	[hbm4b:s10+s2] =	stream.linear.scatter [tilespmem:s16], [sflag:$0x2], $0x2000, $0x38;
	[tilespmem:$0x2980] =	vst v63  }
0x6d: {  	_ = 	snop  }
0x6e: {  	[hbm4b:s11+s2] =	stream.linear.scatter [tilespmem:s16], [sflag:$0x2], $0x2000, $0x38;
	[tilespmem:$0x2980] =	vst v63  }
0x6f: {  	_ =	swait.ge @!p0 [sflag:s28], $0x800  }
0x70: {  	[sflag:s28] =	ssyncset.done @!p0 $0x0  }
0x71: {  	[sflag:s28] =	ssyncadd.s32 @!p0 $0xFFFFF800  }
0x72: {  	[hbm4b:s6+s22] =	stream.strided.scatter @!p0 [tilespmem:s24], [sflag:$0x4], $0x800, s23, s22, $0x38;
	[tilespmem:$0x2980] =	vst v63  }
0x73: {  	_ =	swait.ge @!p1 [sflag:s29], $0x100  }
0x74: {  	[sflag:s29] =	ssyncset.done @!p1 $0x0  }
0x75: {  	[sflag:s29] =	ssyncadd.s32 @!p1 $0xFFFFFF00  }
0x76: {  	[hbm4b:s5+s30] =	stream.strided.scatter @!p1 [tilespmem:s26], [sflag:$0x4], $0x100, s31, s30, $0x38;
	[tilespmem:$0x2980] =	vst v63  }
0x77: {  	_ =	swait.ge [sflag:s8], $0x2000  }
0x78: {  	[sflag:s8] =	ssyncset.done $0x0  }
0x79: {  	[sflag:s8] =	ssyncadd.s32 $0xFFFFE000  }
0x7a: {  	_ =	swait.ge [sflag:s8], $0x2000  }
0x7b: {  	[sflag:s8] =	ssyncset.done $0x0  }
0x7c: {  	[sflag:s8] =	ssyncadd.s32 $0xFFFFE000  }
0x7d: {  	_ =	swait.ge [sflag:s8], $0x2000  }
0x7e: {  	[sflag:s8] =	ssyncset.done $0x0  }
0x7f: {  	[sflag:s8] =	ssyncadd.s32 $0xFFFFE000  }
0x80: {  	_ =	swait.ge [sflag:s8], $0x2000  }
0x81: {  	s3 =	sadd.s32 $0xFFFFFFFF, s3;
	[sflag:s8] =	ssyncset.done $0x0  }
0x82: {  	p3 =	sne.s32 s3, $0x0;
	[sflag:s8] =	ssyncadd.s32 $0xFFFFE000  }
.Ltmp2:
0x83: {  	_ =	swait.ge @!p0 [sflag:s1], $0x800;
	(pc) =	sbr.rel @p3 .LBB2_4-.Ltmp2, $4  }
0x84: {  	[sflag:s1] =	ssyncset.done @!p0 $0x0  }
0x85: {  	[sflag:s1] =	ssyncadd.s32 @!p0 $0xFFFFF800  }
0x86: {  	_ =	swait.ge @!p1 [sflag:s0], $0x100  }
0x87: {  	s4 =	rddreg [dreg:$0x6];
	[sflag:s0] =	ssyncset.done @!p1 $0x0  }
0x88: {  	s22 =	rddreg [dreg:$0x5]  }
0x89: {  	s23 =	stileid.u32;
	s19 =	rddreg [dreg:$0x2]  }
0x8a: {  	s1 =	simm.s32 $0x880;
	s20 =	simm.s32 $0x1080;
	s24 =	simm.s32 $0x1880  }
.LBB2_6:
0x8b: {  	p2 =	por p1, !p2  }
0x8c: {  	[sflag:s0] =	ssyncadd.s32 @!p2 $0xFFFFFF00  }
0x8d: {  	[tilespmem:s2], [sflag:$0x5] =	stream.linear.gather [hbm4b:s4+s2], $0x8, $0x38;
	[tilespmem:$0x2980] =	vst v63  }
0x8e: {  	_ =	swait.ge [sflag:s21], $0x8  }
0x8f: {  	[sflag:s21] =	ssyncset.done $0x0  }
0x90: {  	[sflag:s21] =	ssyncadd.s32 $0xFFFFFFF8  }
0x91: {  	v2 =	vld.msk [tilespmem:$0x0], $0xff;
	_ =	sdelay $0x4  }
0x92: {  	v3 =	vshll.u32 v2, $0x3  }
0x93: {  	v2 =	vand.u32 $0x7, v2;
	v3 =	vand.u32 $0xFFFFFFC0, v3  }
0x94: {  	v2 =	vor.u32 v2, v3  }
0x95: {  	v0 =	vperm.xlane v2, v0;
	_ =	sdelay $0x1  }
0x96: {  	v0 =	vadd.s32 v1, v0;
	_ =	sdelay $0x4  }
0x97: {  	[tilespmem:s16], [sflag:$0x1] =	stream.indirect_vreg.gather [hbm4b:s19+s2], $0x80, v0, vm0, $0xb8;
	[tilespmem:$0x2980] =	vst v63  }
0x98: {  	_ = 	snop  }
0x99: {  	[tilespmem:s1], [sflag:$0x1] =	stream.indirect_vreg.gather [hbm4b:s13+s2], $0x80, v0, vm0, $0xb8;
	[tilespmem:$0x2980] =	vst v63  }
0x9a: {  	_ = 	snop  }
0x9b: {  	[tilespmem:s20], [sflag:$0x1] =	stream.indirect_vreg.gather [hbm4b:s14+s2], $0x80, v0, vm0, $0xb8;
	[tilespmem:$0x2980] =	vst v63  }
0x9c: {  	_ = 	snop  }
0x9d: {  	[tilespmem:s24], [sflag:$0x1] =	stream.indirect_vreg.gather [hbm4b:s15+s2], $0x80, v0, vm0, $0xb8;
	[tilespmem:$0x2980] =	vst v63  }
0x9e: {  	s3 =	simm.s32 @!p0 $0x2080;
	s0 =	simm.s32 @!p0 $0x80;
	s1 =	simm.s32 @!p0 $0x200  }
0x9f: {  	[tilespmem:s3], [sflag:$0x3] =	stream.strided.gather @!p0 [hbm4b:s12+s0], $0x800, s1, s0, $0x38;
	[tilespmem:$0x2980] =	vst v63  }
0xa0: {  	s4 =	simm.s32 @!p1 $0x0;
	s12 =	simm.s32 @!p1 $0x2880  }
0xa1: {  	[tilespmem:s12], [sflag:$0x3] =	stream.linear.gather @!p1 [hbm4b:s18+s4], $0x100, $0x38;
	[tilespmem:$0x2980] =	vst v63  }
0xa2: {  	_ =	swait.ge [sflag:s17], $0x2000  }
0xa3: {  	[sflag:s17] =	ssyncset.done $0x0  }
0xa4: {  	[sflag:s17] =	ssyncadd.s32 $0xFFFFE000  }
0xa5: {  	[hbm4b:s7+s2] =	stream.linear.scatter [tilespmem:s16], [sflag:$0x2], $0x2000, $0x38;
	[tilespmem:$0x2980] =	vst v63  }
0xa6: {  	_ = 	snop  }
0xa7: {  	[hbm4b:s9+s2] =	stream.linear.scatter [tilespmem:s16], [sflag:$0x2], $0x2000, $0x38;
	[tilespmem:$0x2980] =	vst v63  }
0xa8: {  	_ = 	snop  }
0xa9: {  	[hbm4b:s10+s2] =	stream.linear.scatter [tilespmem:s16], [sflag:$0x2], $0x2000, $0x38;
	[tilespmem:$0x2980] =	vst v63  }
0xaa: {  	s4 =	simm.s32 @!p0 $0x3  }
0xab: {  	[hbm4b:s11+s2] =	stream.linear.scatter [tilespmem:s16], [sflag:$0x2], $0x2000, $0x38;
	[tilespmem:$0x2980] =	vst v63  }
0xac: {  	_ =	swait.ge @!p0 [sflag:s4], $0x800  }
0xad: {  	[sflag:s4] =	ssyncset.done @!p0 $0x0  }
0xae: {  	s2 =	simm.s32 @!p1 $0x3;
	[sflag:s4] =	ssyncadd.s32 @!p0 $0xFFFFF800  }
0xaf: {  	[hbm4b:s6+s0] =	stream.strided.scatter @!p0 [tilespmem:s3], [sflag:$0x4], $0x800, s1, s0, $0x38;
	[tilespmem:$0x2980] =	vst v63  }
0xb0: {  	_ =	swait.ge @!p1 [sflag:s2], $0x100  }
0xb1: {  	[sflag:s2] =	ssyncset.done @!p1 $0x0  }
0xb2: {  	s0 =	simm.s32 @!p1 $0x80;
	s1 =	simm.s32 @!p1 $0x200;
	[sflag:s2] =	ssyncadd.s32 @!p1 $0xFFFFFF00  }
0xb3: {  	[hbm4b:s5+s0] =	stream.strided.scatter @!p1 [tilespmem:s12], [sflag:$0x4], $0x100, s1, s0, $0x38;
	[tilespmem:$0x2980] =	vst v63  }
0xb4: {  	_ =	swait.ge [sflag:s8], $0x2000  }
0xb5: {  	[sflag:s8] =	ssyncset.done $0x0  }
0xb6: {  	[sflag:s8] =	ssyncadd.s32 $0xFFFFE000  }
0xb7: {  	_ =	swait.ge [sflag:s8], $0x2000  }
0xb8: {  	[sflag:s8] =	ssyncset.done $0x0  }
0xb9: {  	[sflag:s8] =	ssyncadd.s32 $0xFFFFE000  }
0xba: {  	_ =	swait.ge [sflag:s8], $0x2000  }
0xbb: {  	[sflag:s8] =	ssyncset.done $0x0  }
0xbc: {  	[sflag:s8] =	ssyncadd.s32 $0xFFFFE000  }
0xbd: {  	_ =	swait.ge [sflag:s8], $0x2000  }
0xbe: {  	[sflag:s8] =	ssyncset.done $0x0  }
0xbf: {  	s0 =	simm.s32 @!p0 $0x4;
	[sflag:s8] =	ssyncadd.s32 $0xFFFFE000  }
0xc0: {  	_ =	swait.ge @!p0 [sflag:s0], $0x800  }
0xc1: {  	[sflag:s0] =	ssyncset.done @!p0 $0x0  }
0xc2: {  	[sflag:s0] =	ssyncadd.s32 @!p0 $0xFFFFF800;
	s0 =	simm.s32 @!p1 $0x4  }
0xc3: {  	_ =	swait.ge @!p1 [sflag:s0], $0x100  }
0xc4: {  	[sflag:s0] =	ssyncset.done @!p1 $0x0  }
0xc5: {  	[sflag:s0] =	ssyncadd.s32 @!p1 $0xFFFFFF00  }
0xc6: {  	_ =	sfence.sel $0x180000  }
0xc7: {  	[bflag:$0x0] =	sbarrier.arrive $0xFFFF  }
0xc8: {  	p0 =	sne.s32 s23, $0x0;
	_ =	strace $0x90000047  }
0xc9: {  	s0 =	sadd.s32 @!p0 $0x100000, s22;
	[bflag:$0x2] =	sbarrier.arrive $0xFFFF  }
0xca: {  	[sflag:s0] =	ssyncadd.tile.s32 @!p0 $0x1;
	_ =	shalt  }
.LBB2_1:
.Ltmp3:
0xcb: {  	(pc) =	sbr.rel .LBB2_6-.Ltmp3, $2  }
0xcc: {  	_ =	sdelay $0x2  }
0xcd: {  	_ = 	snop  }
.LBB2_3:
.Ltmp4:
0xce: {  	(pc) =	sbr.rel .LBB2_6-.Ltmp4, $4  }
0xcf: {  	_ = 	snop  }
0xd0: {  	s22 =	rddreg [dreg:$0x5]  }
0xd1: {  	s23 =	stileid.u32;
	s19 =	rddreg [dreg:$0x2]  }
0xd2: {  	s1 =	simm.s32 $0x880;
	s20 =	simm.s32 $0x1080;
	s24 =	simm.s32 $0x1880  }
.Lfunc_end2:
_tile_overlayer_lowered:
.L_overlay_start_2:
0xd3: {  	(tag) =	ssettag $0x2  }
0xd4: {  	s0 =	rddreg [dreg:$0x0];
	s2 =	stileid.u32  }
0xd5: {  	s1 =	rddreg [dreg:$0x1];
	p0 =	sne.s32 s2, $0x0  }
0xd6: {  	s3 =	rddreg [dreg:$0x2];
	[bflag:$0x3] =	sbarrier.arrive $0xFFFF;
	s2 =	simm.s32 @!p0 $0x1C05  }
0xd7: {  	[timem:s3], [sflag:s2] =	dma.local @!p0 [hbm:s0], s1  }
0xd8: {  	s0 =	simm.s32 @!p0 $0x5  }
0xd9: {  	_ =	swait.ge @!p0 [sflag:s0], s1  }
0xda: {  	s1 =	ssub.s32 @!p0 $0x0, s1;
	[sflag:s0] =	ssyncset.done @!p0 $0x0  }
0xdb: {  	[sflag:s0] =	ssyncadd.s32 @!p0 s1  }
0xdc: {  	[bflag:$0x3] =	sbarrier.arrive $0xFFFF  }
0xdd: {  	_ =	shalt  }

</sc_bundles>
